<compile_context>
chip_gen: v7x
topology: tpu7x:2x2x1
jax: 0.10.2.dev20260603
libtpu: 0.0.44.dev20260713+nightly
codegen_flags: <defaults>
</compile_context>

<pallas_src>
import functools

import jax
import jax.numpy as jnp
from jax import lax
from jax.experimental import pallas as pl
from jax.experimental.pallas import tpu as pltpu
from jax.experimental.pallas import tpu_sc as plsc

N = 10000
D_IN = 128
D_E = 16
D_OUT = 128
E_EACH = 320000

NC = 2
NS = 16
NW = NC * NS
CHUNK = 128
CPW = 158
IDX_CPW = 159
E_PAD = NW * CPW * CHUNK
ROWS_PER_TILE = 632
N_PAD = NS * ROWS_PER_TILE

ROW_BLOCK = 1000


def _matmul_body(h_ref, e_ref, wh_ref, we_ref, z_ref):
    z_ref[...] = (
        jnp.dot(h_ref[...], wh_ref[...], preferred_element_type=jnp.float32)
        + jnp.dot(e_ref[...], we_ref[...], preferred_element_type=jnp.float32)
    )


def _add_body(a_ref, b_ref, o_ref):
    o_ref[...] = a_ref[...] + b_ref[...]


def _edge_body(z_hbm, ds_hbm, zrows_hbm, out_hbm, di0, di1, rows0, rows1,
               acc, sg0, sg1):
    c = lax.axis_index("c")
    s = lax.axis_index("s")
    wid = s * NC + c
    row0 = s * ROWS_PER_TILE
    base = wid * IDX_CPW * (2 * CHUNK)

    pltpu.sync_copy(zrows_hbm, acc.at[pl.ds(row0, ROWS_PER_TILE)])
    plsc.subcore_barrier()

    z_dummy = z_hbm.at[pl.ds(0, CHUNK)]

    @pl.loop(0, CPW, step=2)
    def _chunk(j):
        off = base + j * (2 * CHUNK)
        pltpu.sync_copy(ds_hbm.at[pl.ds(off, 2 * CHUNK)], di0)
        pltpu.sync_copy(ds_hbm.at[pl.ds(off + 2 * CHUNK, 2 * CHUNK)], di1)
        pltpu.async_copy(z_hbm.at[di0.at[pl.ds(CHUNK, CHUNK)]], rows0, sg0)
        pltpu.async_copy(z_hbm.at[di1.at[pl.ds(CHUNK, CHUNK)]], rows1, sg1)
        pltpu.make_async_copy(z_dummy, rows0, sg0).wait()
        pltpu.sync_copy(rows0, acc.at[di0.at[pl.ds(0, CHUNK)]], add=True)
        pltpu.make_async_copy(z_dummy, rows1, sg1).wait()
        pltpu.sync_copy(rows1, acc.at[di1.at[pl.ds(0, CHUNK)]], add=True)

    plsc.subcore_barrier()

    pltpu.sync_copy(
        acc.at[pl.ds(row0, ROWS_PER_TILE)],
        out_hbm.at[pl.ds(c * N_PAD + row0, ROWS_PER_TILE)],
    )


@jax.jit
def kernel(h_feat, e_feat, rain0, edge_index_xx, edge_index_yy, W_t):
    del rain0
    wh_t = W_t[:, :D_IN].T
    we_t = W_t[:, D_IN:].T
    n_blocks = N // ROW_BLOCK
    z = pl.pallas_call(
        _matmul_body,
        grid=(n_blocks,),
        in_specs=[
            pl.BlockSpec((ROW_BLOCK, D_IN), lambda i: (i, 0)),
            pl.BlockSpec((ROW_BLOCK, D_E), lambda i: (i, 0)),
            pl.BlockSpec((D_IN, D_OUT), lambda i: (0, 0)),
            pl.BlockSpec((D_E, D_OUT), lambda i: (0, 0)),
        ],
        out_specs=pl.BlockSpec((ROW_BLOCK, D_OUT), lambda i: (i, 0)),
        out_shape=jax.ShapeDtypeStruct((N, D_OUT), jnp.float32),
    )(h_feat, e_feat, wh_t, we_t)

    src = jnp.concatenate(
        [edge_index_xx[0], edge_index_yy[0],
         jnp.zeros((E_PAD - 2 * E_EACH,), jnp.int32)]).astype(jnp.int32)
    dst = jnp.concatenate(
        [edge_index_xx[1], edge_index_yy[1],
         jnp.full((E_PAD - 2 * E_EACH,), N, jnp.int32)]).astype(jnp.int32)
    ds_idx = jnp.pad(jnp.concatenate(
        [dst.reshape(-1, 1, CHUNK), src.reshape(-1, 1, CHUNK)], axis=1
    ).reshape(NW, CPW * 2 * CHUNK),
        ((0, 0), (0, (IDX_CPW - CPW) * 2 * CHUNK))).reshape(-1)
    zrows = jnp.zeros((ROWS_PER_TILE, D_OUT), jnp.float32)

    mesh = plsc.VectorSubcoreMesh(core_axis_name="c", subcore_axis_name="s")
    edge_kernel = functools.partial(
        pl.kernel,
        out_type=jax.ShapeDtypeStruct((NC * N_PAD, D_OUT), jnp.float32),
        mesh=mesh,
        scratch_types=[
            pltpu.VMEM((2 * CHUNK,), jnp.int32),
            pltpu.VMEM((2 * CHUNK,), jnp.int32),
            pltpu.VMEM((CHUNK, D_OUT), jnp.float32),
            pltpu.VMEM((CHUNK, D_OUT), jnp.float32),
            pltpu.VMEM_SHARED((N_PAD, D_OUT), jnp.float32),
            pltpu.SemaphoreType.DMA,
            pltpu.SemaphoreType.DMA,
        ],
    )(_edge_body)
    partials = edge_kernel(z, ds_idx, zrows)

    p0 = partials[:N]
    p1 = partials[N_PAD:N_PAD + N]
    h = pl.pallas_call(
        _add_body,
        grid=(n_blocks,),
        in_specs=[
            pl.BlockSpec((ROW_BLOCK, D_OUT), lambda i: (i, 0)),
            pl.BlockSpec((ROW_BLOCK, D_OUT), lambda i: (i, 0)),
        ],
        out_specs=pl.BlockSpec((ROW_BLOCK, D_OUT), lambda i: (i, 0)),
        out_shape=jax.ShapeDtypeStruct((N, D_OUT), jnp.float32),
    )(p0, p1)
    return h

# --- scband reference (transcript-rebuilt; emitter-appended) ---
"""Pipeline reference for scband-st-eiconv-spgrad2-55662776156166 (READ-ONLY COPY).

The authoritative reference and input builder live on the scoring server;
editing this copy changes nothing except your own understanding.
"""

import jax, jax.numpy as jnp
import numpy as np

N = 10000
E = 320000
D_IN = 128
D_E = 16
D_OUT = 128


def setup_inputs(seed: int = 0) -> dict:
    key = jax.random.key(seed)
    k1, k2, k3, k4, k5, k6 = jax.random.split(key, 6)
    h_feat = jax.random.normal(k1, (N, D_IN), dtype=jnp.float32)
    e_feat = jax.random.normal(k2, (N, D_E), dtype=jnp.float32)
    rain0 = jax.random.normal(k3, (N,), dtype=jnp.float32)
    edge_index_xx = jax.random.randint(k4, (2, E), 0, N)
    edge_index_yy = jax.random.randint(k5, (2, E), 0, N)
    # transform_h: nn.Linear(in=edge_feats+in_feats, out=out_feats, bias=False)
    # torch Linear weight shape is [out_features, in_features]
    fan_in = D_IN + D_E
    bound = 1.0 / np.sqrt(fan_in)
    W_t = jax.random.uniform(k6, (D_OUT, fan_in), dtype=jnp.float32, minval=-bound, maxval=bound)
    return {
        "h_feat": h_feat,
        "e_feat": e_feat,
        "rain0": rain0,
        "edge_index_xx": edge_index_xx,
        "edge_index_yy": edge_index_yy,
        "W_t": W_t,
    }


def reference(h_feat, e_feat, rain0, edge_index_xx, edge_index_yy, W_t):
    # E_mul_H_EE = cat(feat_src, e_feat); transform_h is Linear without bias
    z = jnp.concatenate([h_feat, e_feat], axis=1) @ W_t.T  # [N, D_OUT]
    # activation_edge is None -> no-op
    # update_all(copy_u('e_mul_h'), sum) over etype 'xx' then 'yy':
    # gather source node features along each edge set, scatter-add into dst
    src_xx, dst_xx = edge_index_xx[0], edge_index_xx[1]
    src_yy, dst_yy = edge_index_yy[0], edge_index_yy[1]
    h_x = jax.ops.segment_sum(z[src_xx], dst_xx, num_segments=N)
    h_y = jax.ops.segment_sum(z[src_yy], dst_yy, num_segments=N)
    h = h_x + h_y
    # activation is None -> no-op; out_on=False -> return h
    return h

if __name__ == "__main__":
    import jax
    _d = setup_inputs()
    print(jax.jit(kernel)(*tuple(_d.values())))

</pallas_src>

<mosaic_0001>
#map = affine_map<(d0, d1) -> (0, 0)>
#map1 = affine_map<(d0, d1) -> (0)>
module attributes {stable_mosaic.version = 14 : i64} {
  func.func @_edge_body(%arg0: i32, %arg1: i32, %arg2: memref<10000x128xf32, #tpu.memory_space<hbm>>, %arg3: memref<1302528xi32, #tpu.memory_space<hbm>>, %arg4: memref<632x128xf32, #tpu.memory_space<hbm>>, %arg5: memref<20224x128xf32, #tpu.memory_space<hbm>>, %arg6: memref<256xi32, #tpu.memory_space<vmem>>, %arg7: memref<256xi32, #tpu.memory_space<vmem>>, %arg8: memref<128x128xf32, #tpu.memory_space<vmem>>, %arg9: memref<128x128xf32, #tpu.memory_space<vmem>>, %arg10: memref<10112x128xf32, #tpu.memory_space<vmem_shared>>, %arg11: memref<!tpu.dma_semaphore, #tpu.memory_space<semaphore_mem>>, %arg12: memref<!tpu.dma_semaphore, #tpu.memory_space<semaphore_mem>>) attributes {dimension_semantics = [#tpu.dimension_semantics<core_parallel>, #tpu.dimension_semantics<subcore_parallel>], iteration_bounds = array<i64: 2, 16>, scalar_prefetch = 0 : i64, scratch_operands = 7 : i64, tpu.core_type = #tpu.core_type<sc_vector_subcore>, window_params = [{transform_indices = #map}, {transform_indices = #map1}, {transform_indices = #map}, {transform_indices = #map}]} {
    %mul3A = arith.constant 2 : i32
    %mul3A_0 = arith.muli %arg1, %mul3A : i32
    %add3A = arith.addi %mul3A_0, %arg0 : i32
    %mul3A_1 = arith.constant 632 : i32
    %mul3A_2 = arith.muli %arg1, %mul3A_1 : i32
    %mul3A_3 = arith.constant 159 : i32
    %mul3A_4 = arith.muli %add3A, %mul3A_3 : i32
    %mul3A_5 = arith.constant 256 : i32
    %mul3A_6 = arith.muli %mul3A_4, %mul3A_5 : i32
    "tpu.region"() ({
      %run_scoped3A = tpu.sem_alloc : memref<!tpu.dma_semaphore, #tpu.memory_space<semaphore_mem>>
      %dma_start3A = arith.constant 0 : i32
      %dma_start3A_15 = tpu.memref_slice %arg10[%mul3A_2, %dma_start3A] : memref<10112x128xf32, #tpu.memory_space<vmem_shared>> -> memref<632x128xf32, #tpu.memory_space<vmem_shared>>
      tpu.enqueue_dma source(%arg4 : memref<632x128xf32, #tpu.memory_space<hbm>>) target(%dma_start3A_15 : memref<632x128xf32, #tpu.memory_space<vmem_shared>>) target_semaphore(%run_scoped3A : memref<!tpu.dma_semaphore, #tpu.memory_space<semaphore_mem>>)
      %dma_wait3A = arith.constant 0 : i32
      %dma_wait3A_16 = tpu.memref_slice %arg10[%mul3A_2, %dma_wait3A] : memref<10112x128xf32, #tpu.memory_space<vmem_shared>> -> memref<632x128xf32, #tpu.memory_space<vmem_shared>>
      tpu.wait_dma2 semaphore(%run_scoped3A : memref<!tpu.dma_semaphore, #tpu.memory_space<semaphore_mem>>) src(%arg4 : memref<632x128xf32, #tpu.memory_space<hbm>>) dst(%dma_wait3A_16 : memref<632x128xf32, #tpu.memory_space<vmem_shared>>)
      tpu.yield
    }) : () -> ()
    %barrier3A = arith.constant 0 : index
    tpu.barrier barrier_id(%barrier3A)
    %scan3A = arith.constant 0 : i32
    %scan3A_7 = arith.constant 79 : i32
    %scan3A_8 = arith.addi %scan3A, %scan3A_7 : i32
    %scan3A_9 = arith.constant 1 : i32
    scf.for %scan3A_15 = %scan3A to %scan3A_8 step %scan3A_9  : i32 {
      %mul3A_16 = arith.constant 2 : i32
      %mul3A_17 = arith.muli %scan3A_15, %mul3A_16 : i32
      %add3A_18 = arith.constant 0 : i32
      %add3A_19 = arith.addi %add3A_18, %mul3A_17 : i32
      %mul3A_20 = arith.constant 256 : i32
      %mul3A_21 = arith.muli %add3A_19, %mul3A_20 : i32
      %add3A_22 = arith.addi %mul3A_6, %mul3A_21 : i32
      "tpu.region"() ({
        %run_scoped3A = tpu.sem_alloc : memref<!tpu.dma_semaphore, #tpu.memory_space<semaphore_mem>>
        %dma_start3A_45 = tpu.memref_slice %arg3[%add3A_22] : memref<1302528xi32, #tpu.memory_space<hbm>> -> memref<256xi32, #tpu.memory_space<hbm>>
        %dma_start3A_46 = tpu.memref_slice %arg3[%add3A_22] : memref<1302528xi32, #tpu.memory_space<hbm>> -> memref<256xi32, #tpu.memory_space<hbm>>
        tpu.enqueue_dma source(%dma_start3A_46 : memref<256xi32, #tpu.memory_space<hbm>>) target(%arg6 : memref<256xi32, #tpu.memory_space<vmem>>) target_semaphore(%run_scoped3A : memref<!tpu.dma_semaphore, #tpu.memory_space<semaphore_mem>>)
        %dma_wait3A_47 = tpu.memref_slice %arg3[%add3A_22] : memref<1302528xi32, #tpu.memory_space<hbm>> -> memref<256xi32, #tpu.memory_space<hbm>>
        %dma_wait3A_48 = tpu.memref_slice %arg3[%add3A_22] : memref<1302528xi32, #tpu.memory_space<hbm>> -> memref<256xi32, #tpu.memory_space<hbm>>
        tpu.wait_dma2 semaphore(%run_scoped3A : memref<!tpu.dma_semaphore, #tpu.memory_space<semaphore_mem>>) src(%dma_wait3A_48 : memref<256xi32, #tpu.memory_space<hbm>>) dst(%arg6 : memref<256xi32, #tpu.memory_space<vmem>>)
        tpu.yield
      }) : () -> ()
      %add3A_23 = arith.constant 256 : i32
      %add3A_24 = arith.addi %add3A_22, %add3A_23 : i32
      "tpu.region"() ({
        %run_scoped3A = tpu.sem_alloc : memref<!tpu.dma_semaphore, #tpu.memory_space<semaphore_mem>>
        %dma_start3A_45 = tpu.memref_slice %arg3[%add3A_24] : memref<1302528xi32, #tpu.memory_space<hbm>> -> memref<256xi32, #tpu.memory_space<hbm>>
        %dma_start3A_46 = tpu.memref_slice %arg3[%add3A_24] : memref<1302528xi32, #tpu.memory_space<hbm>> -> memref<256xi32, #tpu.memory_space<hbm>>
        tpu.enqueue_dma source(%dma_start3A_46 : memref<256xi32, #tpu.memory_space<hbm>>) target(%arg7 : memref<256xi32, #tpu.memory_space<vmem>>) target_semaphore(%run_scoped3A : memref<!tpu.dma_semaphore, #tpu.memory_space<semaphore_mem>>)
        %dma_wait3A_47 = tpu.memref_slice %arg3[%add3A_24] : memref<1302528xi32, #tpu.memory_space<hbm>> -> memref<256xi32, #tpu.memory_space<hbm>>
        %dma_wait3A_48 = tpu.memref_slice %arg3[%add3A_24] : memref<1302528xi32, #tpu.memory_space<hbm>> -> memref<256xi32, #tpu.memory_space<hbm>>
        tpu.wait_dma2 semaphore(%run_scoped3A : memref<!tpu.dma_semaphore, #tpu.memory_space<semaphore_mem>>) src(%dma_wait3A_48 : memref<256xi32, #tpu.memory_space<hbm>>) dst(%arg7 : memref<256xi32, #tpu.memory_space<vmem>>)
        tpu.yield
      }) : () -> ()
      %dma_start3A = arith.constant 128 : i32
      %dma_start3A_25 = tpu.memref_slice %arg6[%dma_start3A] : memref<256xi32, #tpu.memory_space<vmem>> -> memref<128xi32, #tpu.memory_space<vmem>>
      %dma_start3A_26 = arith.constant 0 : i32
      %dma_start3A_27 = arith.constant 0 : i32
      %dma_start3A_28 = tpu.memref_slice %arg2[%dma_start3A_26, %dma_start3A_27] : memref<10000x128xf32, #tpu.memory_space<hbm>> -> memref<10000x128xf32, #tpu.memory_space<hbm>>
      tpu.enqueue_indirect_dma source(%dma_start3A_28 : memref<10000x128xf32, #tpu.memory_space<hbm>>) target(%arg8 : memref<128x128xf32, #tpu.memory_space<vmem>>) offsets(%dma_start3A_25 : memref<128xi32, #tpu.memory_space<vmem>>) semaphore(%arg11 : memref<!tpu.dma_semaphore, #tpu.memory_space<semaphore_mem>>)
      %dma_start3A_29 = arith.constant 128 : i32
      %dma_start3A_30 = tpu.memref_slice %arg7[%dma_start3A_29] : memref<256xi32, #tpu.memory_space<vmem>> -> memref<128xi32, #tpu.memory_space<vmem>>
      %dma_start3A_31 = arith.constant 0 : i32
      %dma_start3A_32 = arith.constant 0 : i32
      %dma_start3A_33 = tpu.memref_slice %arg2[%dma_start3A_31, %dma_start3A_32] : memref<10000x128xf32, #tpu.memory_space<hbm>> -> memref<10000x128xf32, #tpu.memory_space<hbm>>
      tpu.enqueue_indirect_dma source(%dma_start3A_33 : memref<10000x128xf32, #tpu.memory_space<hbm>>) target(%arg9 : memref<128x128xf32, #tpu.memory_space<vmem>>) offsets(%dma_start3A_30 : memref<128xi32, #tpu.memory_space<vmem>>) semaphore(%arg12 : memref<!tpu.dma_semaphore, #tpu.memory_space<semaphore_mem>>)
      %dma_wait3A = arith.constant 0 : i32
      %dma_wait3A_34 = arith.constant 0 : i32
      %dma_wait3A_35 = tpu.memref_slice %arg2[%dma_wait3A, %dma_wait3A_34] : memref<10000x128xf32, #tpu.memory_space<hbm>> -> memref<128x128xf32, #tpu.memory_space<hbm>>
      %dma_wait3A_36 = arith.constant 0 : i32
      %dma_wait3A_37 = arith.constant 0 : i32
      %dma_wait3A_38 = tpu.memref_slice %arg2[%dma_wait3A_36, %dma_wait3A_37] : memref<10000x128xf32, #tpu.memory_space<hbm>> -> memref<128x128xf32, #tpu.memory_space<hbm>>
      tpu.wait_dma2 semaphore(%arg11 : memref<!tpu.dma_semaphore, #tpu.memory_space<semaphore_mem>>) src(%dma_wait3A_38 : memref<128x128xf32, #tpu.memory_space<hbm>>) dst(%arg8 : memref<128x128xf32, #tpu.memory_space<vmem>>)
      "tpu.region"() ({
        %run_scoped3A = tpu.sem_alloc : memref<!tpu.dma_semaphore, #tpu.memory_space<semaphore_mem>>
        %dma_start3A_45 = arith.constant 0 : i32
        %dma_start3A_46 = tpu.memref_slice %arg6[%dma_start3A_45] : memref<256xi32, #tpu.memory_space<vmem>> -> memref<128xi32, #tpu.memory_space<vmem>>
        %dma_start3A_47 = arith.constant 0 : i32
        %dma_start3A_48 = arith.constant 0 : i32
        %dma_start3A_49 = tpu.memref_slice %arg10[%dma_start3A_47, %dma_start3A_48] : memref<10112x128xf32, #tpu.memory_space<vmem_shared>> -> memref<10112x128xf32, #tpu.memory_space<vmem_shared>>
        tpu.enqueue_indirect_dma source(%arg8 : memref<128x128xf32, #tpu.memory_space<vmem>>) target(%dma_start3A_49 : memref<10112x128xf32, #tpu.memory_space<vmem_shared>>) offsets(%dma_start3A_46 : memref<128xi32, #tpu.memory_space<vmem>>) semaphore(%run_scoped3A : memref<!tpu.dma_semaphore, #tpu.memory_space<semaphore_mem>>) {add = true}
        %dma_wait3A_50 = arith.constant 0 : i32
        %dma_wait3A_51 = tpu.memref_slice %arg6[%dma_wait3A_50] : memref<256xi32, #tpu.memory_space<vmem>> -> memref<128xi32, #tpu.memory_space<vmem>>
        %dma_wait3A_52 = arith.constant 0 : i32
        %dma_wait3A_53 = arith.constant 0 : i32
        %dma_wait3A_54 = tpu.memref_slice %arg10[%dma_wait3A_52, %dma_wait3A_53] : memref<10112x128xf32, #tpu.memory_space<vmem_shared>> -> memref<10112x128xf32, #tpu.memory_space<vmem_shared>>
        tpu.wait_indirect_dma semaphore(%run_scoped3A : memref<!tpu.dma_semaphore, #tpu.memory_space<semaphore_mem>>) src(%arg8 : memref<128x128xf32, #tpu.memory_space<vmem>>) dst(%dma_wait3A_54 : memref<10112x128xf32, #tpu.memory_space<vmem_shared>>)
        tpu.yield
      }) : () -> ()
      %dma_wait3A_39 = arith.constant 0 : i32
      %dma_wait3A_40 = arith.constant 0 : i32
      %dma_wait3A_41 = tpu.memref_slice %arg2[%dma_wait3A_39, %dma_wait3A_40] : memref<10000x128xf32, #tpu.memory_space<hbm>> -> memref<128x128xf32, #tpu.memory_space<hbm>>
      %dma_wait3A_42 = arith.constant 0 : i32
      %dma_wait3A_43 = arith.constant 0 : i32
      %dma_wait3A_44 = tpu.memref_slice %arg2[%dma_wait3A_42, %dma_wait3A_43] : memref<10000x128xf32, #tpu.memory_space<hbm>> -> memref<128x128xf32, #tpu.memory_space<hbm>>
      tpu.wait_dma2 semaphore(%arg12 : memref<!tpu.dma_semaphore, #tpu.memory_space<semaphore_mem>>) src(%dma_wait3A_44 : memref<128x128xf32, #tpu.memory_space<hbm>>) dst(%arg9 : memref<128x128xf32, #tpu.memory_space<vmem>>)
      "tpu.region"() ({
        %run_scoped3A = tpu.sem_alloc : memref<!tpu.dma_semaphore, #tpu.memory_space<semaphore_mem>>
        %dma_start3A_45 = arith.constant 0 : i32
        %dma_start3A_46 = tpu.memref_slice %arg7[%dma_start3A_45] : memref<256xi32, #tpu.memory_space<vmem>> -> memref<128xi32, #tpu.memory_space<vmem>>
        %dma_start3A_47 = arith.constant 0 : i32
        %dma_start3A_48 = arith.constant 0 : i32
        %dma_start3A_49 = tpu.memref_slice %arg10[%dma_start3A_47, %dma_start3A_48] : memref<10112x128xf32, #tpu.memory_space<vmem_shared>> -> memref<10112x128xf32, #tpu.memory_space<vmem_shared>>
        tpu.enqueue_indirect_dma source(%arg9 : memref<128x128xf32, #tpu.memory_space<vmem>>) target(%dma_start3A_49 : memref<10112x128xf32, #tpu.memory_space<vmem_shared>>) offsets(%dma_start3A_46 : memref<128xi32, #tpu.memory_space<vmem>>) semaphore(%run_scoped3A : memref<!tpu.dma_semaphore, #tpu.memory_space<semaphore_mem>>) {add = true}
        %dma_wait3A_50 = arith.constant 0 : i32
        %dma_wait3A_51 = tpu.memref_slice %arg7[%dma_wait3A_50] : memref<256xi32, #tpu.memory_space<vmem>> -> memref<128xi32, #tpu.memory_space<vmem>>
        %dma_wait3A_52 = arith.constant 0 : i32
        %dma_wait3A_53 = arith.constant 0 : i32
        %dma_wait3A_54 = tpu.memref_slice %arg10[%dma_wait3A_52, %dma_wait3A_53] : memref<10112x128xf32, #tpu.memory_space<vmem_shared>> -> memref<10112x128xf32, #tpu.memory_space<vmem_shared>>
        tpu.wait_indirect_dma semaphore(%run_scoped3A : memref<!tpu.dma_semaphore, #tpu.memory_space<semaphore_mem>>) src(%arg9 : memref<128x128xf32, #tpu.memory_space<vmem>>) dst(%dma_wait3A_54 : memref<10112x128xf32, #tpu.memory_space<vmem_shared>>)
        tpu.yield
      }) : () -> ()
    }
    %scan3A_10 = arith.constant 79 : i32
    %barrier3A_11 = arith.constant 0 : index
    tpu.barrier barrier_id(%barrier3A_11)
    %mul3A_12 = arith.constant 10112 : i32
    %mul3A_13 = arith.muli %arg0, %mul3A_12 : i32
    %add3A_14 = arith.addi %mul3A_13, %mul3A_2 : i32
    "tpu.region"() ({
      %run_scoped3A = tpu.sem_alloc : memref<!tpu.dma_semaphore, #tpu.memory_space<semaphore_mem>>
      %dma_start3A = arith.constant 0 : i32
      %dma_start3A_15 = tpu.memref_slice %arg5[%add3A_14, %dma_start3A] : memref<20224x128xf32, #tpu.memory_space<hbm>> -> memref<632x128xf32, #tpu.memory_space<hbm>>
      %dma_start3A_16 = arith.constant 0 : i32
      %dma_start3A_17 = tpu.memref_slice %arg10[%mul3A_2, %dma_start3A_16] : memref<10112x128xf32, #tpu.memory_space<vmem_shared>> -> memref<632x128xf32, #tpu.memory_space<vmem_shared>>
      tpu.enqueue_dma source(%dma_start3A_17 : memref<632x128xf32, #tpu.memory_space<vmem_shared>>) target(%dma_start3A_15 : memref<632x128xf32, #tpu.memory_space<hbm>>) target_semaphore(%run_scoped3A : memref<!tpu.dma_semaphore, #tpu.memory_space<semaphore_mem>>)
      %dma_wait3A = arith.constant 0 : i32
      %dma_wait3A_18 = tpu.memref_slice %arg5[%add3A_14, %dma_wait3A] : memref<20224x128xf32, #tpu.memory_space<hbm>> -> memref<632x128xf32, #tpu.memory_space<hbm>>
      %dma_wait3A_19 = arith.constant 0 : i32
      %dma_wait3A_20 = tpu.memref_slice %arg10[%mul3A_2, %dma_wait3A_19] : memref<10112x128xf32, #tpu.memory_space<vmem_shared>> -> memref<632x128xf32, #tpu.memory_space<vmem_shared>>
      tpu.wait_dma2 semaphore(%run_scoped3A : memref<!tpu.dma_semaphore, #tpu.memory_space<semaphore_mem>>) src(%dma_wait3A_20 : memref<632x128xf32, #tpu.memory_space<vmem_shared>>) dst(%dma_wait3A_18 : memref<632x128xf32, #tpu.memory_space<hbm>>)
      tpu.yield
    }) : () -> ()
    return
  }
}

module attributes {stable_mosaic.version = 14 : i64} {
  func.func @_matmul_body(%arg0: i32, %arg1: memref<1000x128xf32, #tpu.memory_space<vmem>>, %arg2: memref<1000x16xf32, #tpu.memory_space<vmem>>, %arg3: memref<128x128xf32, #tpu.memory_space<vmem>>, %arg4: memref<16x128xf32, #tpu.memory_space<vmem>>, %arg5: memref<1000x128xf32, #tpu.memory_space<vmem>>) attributes {dimension_semantics = [#tpu.dimension_semantics<arbitrary>], iteration_bounds = array<i64: 10>, scalar_prefetch = 0 : i64, scratch_operands = 0 : i64, tpu.core_type = #tpu.core_type<tc>, window_params = [{transform_indices = @transform_0, window_bounds = array<i64: 1000, 128>}, {transform_indices = @transform_1, window_bounds = array<i64: 1000, 16>}, {pipeline_mode = #tpu.pipeline_mode<synchronous>, transform_indices = @transform_2, window_bounds = array<i64: 128, 128>}, {pipeline_mode = #tpu.pipeline_mode<synchronous>, transform_indices = @transform_3, window_bounds = array<i64: 16, 128>}, {transform_indices = @transform_4, window_bounds = array<i64: 1000, 128>}]} {
    %get3A = arith.constant 0 : index
    %get3A_0 = arith.constant 0 : index
    %get3A_1 = vector.load %arg1[%get3A, %get3A_0] : memref<1000x128xf32, #tpu.memory_space<vmem>>, vector<1000x128xf32>
    %get3A_2 = arith.constant 0 : index
    %get3A_3 = arith.constant 0 : index
    %get3A_4 = vector.load %arg3[%get3A_2, %get3A_3] : memref<128x128xf32, #tpu.memory_space<vmem>>, vector<128x128xf32>
    %dot_general3A = arith.constant dense<0.000000e+00> : vector<1000x128xf32>
    %dot_general3A_5 = tpu.matmul %get3A_1, %get3A_4, %dot_general3A {dimension_numbers = #tpu.dot_dimension_numbers<[1], [0], [0], [1], [0, 0, 1, 1], [], []>, transpose_lhs_hint = false} : vector<1000x128xf32>, vector<128x128xf32>, vector<1000x128xf32> -> vector<1000x128xf32>
    %get3A_6 = arith.constant 0 : index
    %get3A_7 = arith.constant 0 : index
    %get3A_8 = vector.load %arg2[%get3A_6, %get3A_7] : memref<1000x16xf32, #tpu.memory_space<vmem>>, vector<1000x16xf32>
    %get3A_9 = arith.constant 0 : index
    %get3A_10 = arith.constant 0 : index
    %get3A_11 = vector.load %arg4[%get3A_9, %get3A_10] : memref<16x128xf32, #tpu.memory_space<vmem>>, vector<16x128xf32>
    %dot_general3A_12 = arith.constant dense<0.000000e+00> : vector<1000x128xf32>
    %dot_general3A_13 = tpu.matmul %get3A_8, %get3A_11, %dot_general3A_12 {dimension_numbers = #tpu.dot_dimension_numbers<[1], [0], [0], [1], [0, 0, 1, 1], [], []>, transpose_lhs_hint = false} : vector<1000x16xf32>, vector<16x128xf32>, vector<1000x128xf32> -> vector<1000x128xf32>
    %add3A = arith.addf %dot_general3A_5, %dot_general3A_13 : vector<1000x128xf32>
    %swap3A = arith.constant 0 : index
    %swap3A_14 = arith.constant 0 : index
    %swap3A_15 = vector.load %arg5[%swap3A, %swap3A_14] : memref<1000x128xf32, #tpu.memory_space<vmem>>, vector<1000x128xf32>
    tpu.vector_store %arg5[%swap3A, %swap3A_14], %add3A {strides = array<i32>} : memref<1000x128xf32, #tpu.memory_space<vmem>>, vector<1000x128xf32>,
    return
  }
  func.func @transform_0(%arg0: i32) -> (i32, i32) {
    %c0_i32 = arith.constant 0 : i32
    %c0_i32_0 = arith.constant 0 : i32
    return %arg0, %c0_i32 : i32, i32
  }
  func.func @transform_1(%arg0: i32) -> (i32, i32) {
    %c0_i32 = arith.constant 0 : i32
    %c0_i32_0 = arith.constant 0 : i32
    return %arg0, %c0_i32 : i32, i32
  }
  func.func @transform_2(%arg0: i32) -> (i32, i32) {
    %c0_i32 = arith.constant 0 : i32
    %c0_i32_0 = arith.constant 0 : i32
    %c0_i32_1 = arith.constant 0 : i32
    return %c0_i32, %c0_i32_0 : i32, i32
  }
  func.func @transform_3(%arg0: i32) -> (i32, i32) {
    %c0_i32 = arith.constant 0 : i32
    %c0_i32_0 = arith.constant 0 : i32
    %c0_i32_1 = arith.constant 0 : i32
    return %c0_i32, %c0_i32_0 : i32, i32
  }
  func.func @transform_4(%arg0: i32) -> (i32, i32) {
    %c0_i32 = arith.constant 0 : i32
    %c0_i32_0 = arith.constant 0 : i32
    return %arg0, %c0_i32 : i32, i32
  }
}

module attributes {stable_mosaic.version = 14 : i64} {
  func.func @_add_body(%arg0: i32, %arg1: memref<1000x128xf32, #tpu.memory_space<vmem>>, %arg2: memref<1000x128xf32, #tpu.memory_space<vmem>>, %arg3: memref<1000x128xf32, #tpu.memory_space<vmem>>) attributes {dimension_semantics = [#tpu.dimension_semantics<arbitrary>], iteration_bounds = array<i64: 10>, scalar_prefetch = 0 : i64, scratch_operands = 0 : i64, tpu.core_type = #tpu.core_type<tc>, window_params = [{transform_indices = @transform_0, window_bounds = array<i64: 1000, 128>}, {transform_indices = @transform_1, window_bounds = array<i64: 1000, 128>}, {transform_indices = @transform_2, window_bounds = array<i64: 1000, 128>}]} {
    %get3A = arith.constant 0 : index
    %get3A_0 = arith.constant 0 : index
    %get3A_1 = vector.load %arg1[%get3A, %get3A_0] : memref<1000x128xf32, #tpu.memory_space<vmem>>, vector<1000x128xf32>
    %get3A_2 = arith.constant 0 : index
    %get3A_3 = arith.constant 0 : index
    %get3A_4 = vector.load %arg2[%get3A_2, %get3A_3] : memref<1000x128xf32, #tpu.memory_space<vmem>>, vector<1000x128xf32>
    %add3A = arith.addf %get3A_1, %get3A_4 : vector<1000x128xf32>
    %swap3A = arith.constant 0 : index
    %swap3A_5 = arith.constant 0 : index
    %swap3A_6 = vector.load %arg3[%swap3A, %swap3A_5] : memref<1000x128xf32, #tpu.memory_space<vmem>>, vector<1000x128xf32>
    tpu.vector_store %arg3[%swap3A, %swap3A_5], %add3A {strides = array<i32>} : memref<1000x128xf32, #tpu.memory_space<vmem>>, vector<1000x128xf32>,
    return
  }
  func.func @transform_0(%arg0: i32) -> (i32, i32) {
    %c0_i32 = arith.constant 0 : i32
    %c0_i32_0 = arith.constant 0 : i32
    return %arg0, %c0_i32 : i32, i32
  }
  func.func @transform_1(%arg0: i32) -> (i32, i32) {
    %c0_i32 = arith.constant 0 : i32
    %c0_i32_0 = arith.constant 0 : i32
    return %arg0, %c0_i32 : i32, i32
  }
  func.func @transform_2(%arg0: i32) -> (i32, i32) {
    %c0_i32 = arith.constant 0 : i32
    %c0_i32_0 = arith.constant 0 : i32
    return %arg0, %c0_i32 : i32, i32
  }
}

</mosaic_0001>

<sc_bundles>
// kernel: kernel.5.cloned.1.call-start
scs
__scs_entry_jumppad:
0x0: {  	(pc) =	sbr.rel $0x88, $3  }
0x1: {  	(tag) =	ssettag $0x0;
	lr =	simm.s32 $0x1  }
0x2: {  	[smem:$0x3F9C] =	sst lr;
	_ =	strace $0xD0000000  }
0x3: {  	_ = 	snop  }
0x4: {  	_ = 	snop  }
0x5: {  	_ = 	snop  }
0x6: {  	_ = 	snop  }
0x7: {  	_ = 	snop  }
__scs_overlays_trampoline_lowered:
0x8: {  	[smem:$0x3FAB] =	sst s0  }
0x9: {  	[smem:$0x3FAC] =	sst s1  }
0xa: {  	[smem:$0x3FAD] =	sst s2  }
0xb: {  	[smem:$0x3FAE] =	sst s3  }
0xc: {  	[smem:$0x3FAF] =	sst s4  }
0xd: {  	[smem:$0x3FB0] =	sst s5  }
0xe: {  	[smem:$0x3FB1] =	sst s6  }
0xf: {  	[smem:$0x3FB2] =	sst s7  }
0x10: {  	[smem:$0x3FB3] =	sst s8  }
0x11: {  	[smem:$0x3FB4] =	sst s9;
	s0 =	simm.s32 @!p0 $0x0  }
0x12: {  	s1 =	sld [smem:$0x3F9A];
	s0 =	simm.s32 @p0 $0x1  }
0x13: {  	[smem:$0x3FB5] =	sst s0;
	s0 =	simm.s32 @!p1 $0x0  }
0x14: {  	s2 =	sld [smem:$0x3F99];
	s0 =	simm.s32 @p1 $0x1  }
0x15: {  	[smem:$0x3FB6] =	sst s0;
	s0 =	simm.s32 @!p2 $0x0  }
0x16: {  	s3 =	sld [smem:$0x3FDB];
	s0 =	simm.s32 @p2 $0x1  }
0x17: {  	s4 =	simm.s32 $0x1BF5;
	[smem:$0x3FB8] =	sst s0  }
0x18: {  	s0 =	sld [smem:$0x3F9B];
	_ =	swait.ge [sflag:s4], $0x0  }
0x19: {  	s7 =	sld [smem:$0x3F9C]  }
0x1a: {  	s8 =	sadd.s32 $0xFFFFE003, lr  }
0x1b: {  	s9 =	sadd.s32 $0xFFFFFEF7, lr;
	s5 =	simm.s32 $0xFFFFFFFF;
	p2 =	slt.u32 s8, $0xFFFFF086  }
0x1c: {  	p1 =	slt.u32 s9, $0xF7A;
	s5 =	simm.s32 @!p2 $0x0  }
0x1d: {  	s5 =	simm.s32 @p1 $0x1;
	p0 =	seq.s32 s7, s2  }
0x1e: {  	s7 =	smul.u32 @!p0 $0xF7A, s2;
	p2 =	seq.s32 @!p0 s5, $0x0  }
0x1f: {  	s9 =	smul.u32 $0xF7A, s1;
	s8 =	simm.s32 @!p0 $0x1BF5;
	p2 =	por !p2, p0  }
0x20: {  	[sflag:s8] =	ssyncset.s32 @!p0 $0xFFFFF086;
	s6 =	sadd.s32 @!p0 s3, s7;
	s7 =	simm.s32 @!p0 $0x108  }
0x21: {  	s3 =	sadd.s32 s3, s9;
	s6 =	sadd.s32 @!p0 $0x88, s6;
	s7 =	simm.s32 @p2 $0x1082  }
0x22: {  	[simem:s7], [sflag:s8] =	dma.local @!p0 [hbm:s6], $0xF7A  }
0x23: {  	s9 =	sor.u32 $0xD0000000, s2;
	s6 =	simm.s32 $0x108;
	_ =	swait.ge @!p0 [sflag:s8], $0x0  }
0x24: {  	s3 =	sadd.s32 $0x88, s3;
	s6 =	simm.s32 @!p1 $0x1082;
	[sflag:s4] =	ssyncset.s32 $0xFFFFF086  }
0x25: {  	[simem:s6], [sflag:s4] =	dma.local [hbm:s3], $0xF7A  }
0x26: {  	[smem:$0x3F9C] =	sst s1;
	(tag) =	ssettag s2;
	_ =	strace s9  }
0x27: {  	s1 =	sld [smem:$0x3FAC]  }
0x28: {  	s2 =	sld [smem:$0x3FAD]  }
0x29: {  	s4 =	sld [smem:$0x3FAF]  }
0x2a: {  	p0 =	seq.s32 s5, $0x0;
	s5 =	sld [smem:$0x3FB0]  }
0x2b: {  	s6 =	sld [smem:$0x3FB1]  }
0x2c: {  	s7 =	sld [smem:$0x3FB2]  }
0x2d: {  	s3 =	simm.s32 $0x108;
	s8 =	sld [smem:$0x3FB3]  }
0x2e: {  	s3 =	simm.s32 @!p0 $0x1082;
	s9 =	sld [smem:$0x3FB4]  }
0x2f: {  	lr =	sadd.s32 s0, s3;
	s0 =	sld [smem:$0x3FAB]  }
0x30: {  	s3 =	sld [smem:$0x3FAE]  }
0x31: {  	[smem:$0x3FB7] =	sst s10  }
0x32: {  	s10 =	sld [smem:$0x3FB5];
	_ =	sdelay $0x3  }
0x33: {  	p0 =	seq.s32 s10, $0x1;
	s10 =	sld [smem:$0x3FB7];
	_ =	sdelay $0x3  }
0x34: {  	[smem:$0x3FB7] =	sst s10  }
0x35: {  	s10 =	sld [smem:$0x3FB6];
	_ =	sdelay $0x3  }
0x36: {  	p1 =	seq.s32 s10, $0x1;
	s10 =	sld [smem:$0x3FB7];
	_ =	sdelay $0x3  }
0x37: {  	[smem:$0x3FB7] =	sst s10  }
0x38: {  	s10 =	sld [smem:$0x3FB8]  }
0x39: {  	_ = 	snop;
	(pc) =	sbr.ind lr, $3  }
0x3a: {  	_ = 	snop  }
0x3b: {  	_ = 	snop  }
0x3c: {  	p2 =	seq.s32 s10, $0x1;
	s10 =	sld [smem:$0x3FB7]  }
0x3d: {  	_ =	shalt  }
0x3e: {  	_ =	shalt  }
0x3f: {  	_ =	shalt  }
0x40: {  	_ =	shalt  }
0x41: {  	_ =	shalt  }
0x42: {  	_ =	shalt  }
0x43: {  	_ =	shalt  }
0x44: {  	_ =	shalt  }
0x45: {  	_ =	shalt  }
0x46: {  	_ =	shalt  }
0x47: {  	_ =	shalt  }
0x48: {  	_ =	shalt  }
0x49: {  	_ =	shalt  }
0x4a: {  	_ =	shalt  }
0x4b: {  	_ =	shalt  }
0x4c: {  	_ =	shalt  }
0x4d: {  	_ =	shalt  }
0x4e: {  	_ =	shalt  }
0x4f: {  	_ =	shalt  }
0x50: {  	_ =	shalt  }
0x51: {  	_ =	shalt  }
0x52: {  	_ =	shalt  }
0x53: {  	_ =	shalt  }
0x54: {  	_ =	shalt  }
0x55: {  	_ =	shalt  }
0x56: {  	_ =	shalt  }
0x57: {  	_ =	shalt  }
0x58: {  	_ =	shalt  }
0x59: {  	_ =	shalt  }
0x5a: {  	_ =	shalt  }
0x5b: {  	_ =	shalt  }
0x5c: {  	_ =	shalt  }
0x5d: {  	_ =	shalt  }
0x5e: {  	_ =	shalt  }
0x5f: {  	_ =	shalt  }
0x60: {  	_ =	shalt  }
0x61: {  	_ =	shalt  }
0x62: {  	_ =	shalt  }
0x63: {  	_ =	shalt  }
0x64: {  	_ =	shalt  }
0x65: {  	_ =	shalt  }
0x66: {  	_ =	shalt  }
0x67: {  	_ =	shalt  }
0x68: {  	_ =	shalt  }
0x69: {  	_ =	shalt  }
0x6a: {  	_ =	shalt  }
0x6b: {  	_ =	shalt  }
0x6c: {  	_ =	shalt  }
0x6d: {  	_ =	shalt  }
0x6e: {  	_ =	shalt  }
0x6f: {  	_ =	shalt  }
0x70: {  	_ =	shalt  }
0x71: {  	_ =	shalt  }
0x72: {  	_ =	shalt  }
0x73: {  	_ =	shalt  }
0x74: {  	_ =	shalt  }
0x75: {  	_ =	shalt  }
0x76: {  	_ =	shalt  }
0x77: {  	_ =	shalt  }
0x78: {  	_ =	shalt  }
0x79: {  	_ =	shalt  }
0x7a: {  	_ =	shalt  }
0x7b: {  	_ =	shalt  }
0x7c: {  	_ =	shalt  }
0x7d: {  	_ =	shalt  }
0x7e: {  	_ =	shalt  }
0x7f: {  	_ =	shalt  }
0x80: {  	_ =	shalt  }
0x81: {  	_ =	shalt  }
0x82: {  	_ =	shalt  }
0x83: {  	_ =	shalt  }
0x84: {  	_ =	shalt  }
0x85: {  	_ =	shalt  }
0x86: {  	_ =	shalt  }
0x87: {  	_ =	shalt  }
.Lfunc_end0:
.L_simem_size_0:
called_computation_lowered:
.L_overlay_start_0:
0x88: {  	s2 =	sld [smem:$0x3FD9]  }
0x89: {  	s3 =	sld [smem:$0x3FFE];
	_ =	sdelay $0x1  }
0x8a: {  	s1 =	srdreg.scid  }
0x8b: {  	s0 =	sand.u32 $0x1, s1  }
0x8c: {  	s17 =	sshll.u32 s0, $0xA;
	s2 =	sadd.s32 s3, s2  }
0x8d: {  	s2 =	sadd.s32 s2, s17  }
0x8e: {  	[smem:$0x3FC3] =	sst s2  }
0x8f: {  	_ = 	snop  }
0x90: {  	s2 =	sld [smem:$0x3FD0];
	(tm) =	ssettm $0x1  }
0x91: {  	s18 =	sld [smem:$0x3FFB];
	_ =	sdelay $0x3  }
0x92: {  	_ =	strace s18  }
0x93: {  	s3 =	sld [smem:$0x3FFC];
	_ =	sdelay $0x3  }
0x94: {  	_ =	strace s3  }
0x95: {  	s3 =	sld [smem:$0x3FFD];
	_ =	sdelay $0x3  }
0x96: {  	_ =	strace s3  }
0x97: {  	_ =	strace $0x8FFFFFFF  }
0x98: {  	s19 =	sld [smem:$0x3FDB];
	_ =	sdelay $0x1  }
0x99: {  	s4 =	simm.s32 $_scs_section_size  }
0x9a: {  	s5 =	simm.s32 $_size__tile_overlayer_lowered;
	s6 =	simm.s32 $_tile_overlayer_lowered  }
0x9b: {  	s22 =	simm.s32 $0x1BFF;
	s21 =	sshll.u32 s6, $0x1;
	s3 =	sadd.s32 s4, s19  }
0x9c: {  	s7 =	simm.s32 $0x0;
	s20 =	sshll.u32 s5, $0x1;
	s5 =	sadd.s32 s21, s3  }
0x9d: {  	[timem:s7], [sflag:s22] =	dma.local [hbm:s5], s20  }
0x9e: {  	_ =	swait.ge [sflag:s22], s20  }
0x9f: {  	s4 =	ssub.s32 $0x0, s20;
	[sflag:s22] =	ssyncset.done $0x0  }
0xa0: {  	[sflag:s22] =	ssyncadd.s32 s4;
	_ =	sdelay $0x1  }
0xa1: {  	s23 =	simm.s32 $0x1B8B  }
0xa2: {  	_ =	swait.ge [sflag:s23], $0x1  }
0xa3: {  	[sflag:s23] =	ssyncset.done $0x0  }
0xa4: {  	s25 =	simm.s32 $0x1B8E;
	s24 =	sld [smem:$0x3FFE];
	[sflag:s23] =	ssyncadd.s32 $0xFFFFFFFF  }
0xa5: {  	s26 =	simm.s32 $execute0_lowered;
	[smem:$0x3FD2] =	sst s25  }
0xa6: {  	s5 =	sshll.u32 s26, $0x1;
	_ =	strace $0x80000046;
	[dreg:$0x1] =	wrdreg $0xFFFFFFFF  }
0xa7: {  	s28 =	simm.s32 $_size_execute0_lowered;
	s3 =	sadd.s32 s3, s5;
	[dreg:$0x0] =	wrdreg $0x0  }
0xa8: {  	s5 =	sshll.u32 s28, $0x1;
	[dreg:$0x2] =	wrdreg s3  }
0xa9: {  	[dreg:$0x3] =	wrdreg s5  }
0xaa: {  	[dreg:$0x4] =	wrdreg $0xC0  }
0xab: {  	_ =	task [dreg:s7], $0x5FFFF  }
0xac: {  	[dreg:$0x1] =	wrdreg $0xFFFFFFFF  }
0xad: {  	[dreg:$0x0] =	wrdreg $0x60  }
0xae: {  	[dreg:$0x2] =	wrdreg s2  }
0xaf: {  	[dreg:$0x3] =	wrdreg s24  }
0xb0: {  	[dreg:$0x4] =	wrdreg $0x82000  }
0xb1: {  	[dreg:$0x5] =	wrdreg $0x9  }
0xb2: {  	_ =	task.clear_ibuf [dreg:s7], $0x6FFFF;
	_ =	strace $0x90000046  }
0xb3: {  	s29 =	simm.s32 $0x9;
	_ =	strace $0x80000048  }
0xb4: {  	_ =	swait.ge [sflag:s29], $0x1  }
0xb5: {  	[sflag:s29] =	ssyncadd.s32 $0xFFFFFFFF  }
0xb6: {  	_ =	strace $0x90000048  }
0xb7: {  	_ =	sfence  }
0xb8: {  	s30 =	sld [smem:$0x0];
	_ =	sdelay $0x2  }
0xb9: {  	s31 =	sshll.u32 s1, $0xD;
	s1 =	sshrl.u32 s1, $0x2  }
0xba: {  	s3 =	sand.u32 $0x4000, s31;
	s1 =	sadd.s32 s1, s30  }
0xbb: {  	s0 =	sor.u32 s3, s0;
	s1 =	sshll.u32 s1, $0x11  }
0xbc: {  	s0 =	sor.u32 s1, s0  }
0xbd: {  	s0 =	sadd.s32 $0x8F2B, s0  }
0xbe: {  	[sflag:s0] =	ssyncadd.remote.s32 $0x1  }
0xbf: {  	_ =	sfence.sel $0xFFFF  }
0xc0: {  	[dreg:$0x0] =	wrdreg $0xFFFFFFFF;
	(pc) =	sbr.abs _section_cstart, $3  }
0xc1: {  	[dreg:$0x1] =	wrdreg $0xFFFFFFFF  }
0xc2: {  	_ =	task.clear_ibuf [dreg:s7], $0x2FFFF;
	_ =	strace $0x9FFFFFFF  }
0xc3: {  	(tm) =	ssettm $0x7FFFFFFF  }
tec
execute0_lowered:
.L_overlay_start_1:
0x0: {  	(tag) =	ssettag $0x1  }
0x1: {  	s1 =	rddreg [dreg:$0x0]  }
0x2: {  	s6 =	rddreg [dreg:$0x1]  }
0x3: {  	s3 =	rddreg [dreg:$0x2]  }
0x4: {  	s0 =	rddreg [dreg:$0x3];
	s5 =	srdreg.scid  }
0x5: {  	s2 =	stileid.u32;
	s4 =	simm.s32 $0x0;
	s14 =	simm.s32 $0x80  }
0x6: {  	s15 =	simm.s32 $0x200;
	s16 =	simm.s32 $0x180;
	s17 =	simm.s32 $0x4200  }
0x7: {  	s18 =	simm.s32 $0x1;
	s19 =	simm.s32 $0x2;
	s8 =	smul.u32 $0x2780, s2  }
0x8: {  	s20 =	simm.s32 $0x0;
	s7 =	sand.u32 $0x1, s5;
	s11 =	smul.u32 $0x4F000, s2  }
0x9: {  	[smem:$0x7FF] =	sst s4;
	s10 =	sadd.s32 $0x400, s6;
	s13 =	smul.u32 $0x13E00, s2  }
0xa: {  	s5 =	sadd.s32 $0x28000, s6;
	s28 =	sshll.u32 s2, $0x6;
	s9 =	smul.u32 $0x27800, s7  }
0xb: {  	_ =	strace $0x80000047;
	s12 =	ssub.s32 $0x2, s7;
	s7 =	smul.u32 $0x9F00, s7  }
0xc: {  	s25 =	sshrl.u32 s12, $0x1;
	s26 =	sshrl.u32 s11, $0x2;
	s8 =	sadd.s32 s8, s9  }
0xd: {  	s9 =	ssub.s32 s12, s25;
	s11 =	sadd.s32 s26, s3;
	s29 =	sadd.s32 s7, s13  }
0xe: {  	s12 =	simm.s32 $0x3;
	s8 =	sadd.s32 s8, s6;
	s6 =	sor.u32 $0x1C03, s28  }
0xf: {  	s13 =	sadd.s32 $0x100, s29;
	s30 =	sshrl.u32 s29, $0x3;
	s11 =	sshrl.u32 s11, $0x3  }
0x10: {  	s7 =	sadd.s32 $0x2A800, s8;
	s8 =	smax.u32 s9, $0x1;
	s31 =	sshrl.u32 s13, $0x3  }
0x11: {  	s9 =	sadd.s32 s30, s10;
	s13 =	simm.s32 $0x100;
	s10 =	sadd.s32 s31, s10  }
.LBB2_1:
0x12: {  	[spmem:s11], [sflag:s6] =	dma.local [hbm:s5], $0x2780  }
0x13: {  	_ =	swait.ge [sflag:s12], $0x2780  }
0x14: {  	[sflag:s12] =	ssyncset.done $0x0  }
0x15: {  	[sflag:s12] =	ssyncadd.s32 $0xFFFFD880  }
0x16: {  	s21 =	sadd.s32 $0x0, s9;
	[bflag:$0x0] =	sbarrier.arrive $0xFFFF  }
0x17: {  	[tilespmem:s4], [sflag:$0x3] =	stream.linear.gather [hbm4b:s21+s4], $0x100, $0x38;
	[tilespmem:$0x1BE00] =	vst v63  }
0x18: {  	_ =	swait.ge [sflag:s12], $0x100  }
0x19: {  	[sflag:s12] =	ssyncset.done $0x0  }
0x1a: {  	s31 =	sadd.s32 $0x0, s10;
	[sflag:s12] =	ssyncadd.s32 $0xFFFFFF00  }
0x1b: {  	[tilespmem:s13], [sflag:$0x3] =	stream.linear.gather [hbm4b:s31+s4], $0x100, $0x38;
	[tilespmem:$0x1BE00] =	vst v63  }
0x1c: {  	_ =	swait.ge [sflag:s12], $0x100  }
0x1d: {  	[sflag:s12] =	ssyncset.done $0x0  }
0x1e: {  	[sflag:s12] =	ssyncadd.s32 $0xFFFFFF00  }
0x1f: {  	[tilespmem:s15], [sflag:$0x1] =	stream.indirect.gather [hbm4b:s1+s14], $0x80, s14, s14, $0xb8;
	[tilespmem:$0x1BE00] =	vst v63  }
0x20: {  	_ = 	snop  }
0x21: {  	[tilespmem:s17], [sflag:$0x2] =	stream.indirect.gather [hbm4b:s1+s14], $0x80, s16, s14, $0xb8;
	[tilespmem:$0x1BE00] =	vst v63  }
0x22: {  	_ =	swait.ge [sflag:s18], $0x4000  }
0x23: {  	[sflag:s18] =	ssyncset.done $0x0  }
0x24: {  	[sflag:s18] =	ssyncadd.s32 $0xFFFFC000  }
0x25: {  	[spmem:s3] =	stream.indirect.scatter.add.f32 [tilespmem:s15], [sflag:$0x3], $0x80, s4, s14, $0xb8;
	[tilespmem:$0x1BE00] =	vst v63  }
0x26: {  	_ =	swait.ge [sflag:s12], $0x4000  }
0x27: {  	[sflag:s12] =	ssyncset.done $0x0  }
0x28: {  	[sflag:s12] =	ssyncadd.s32 $0xFFFFC000  }
0x29: {  	_ =	swait.ge [sflag:s19], $0x4000  }
0x2a: {  	[sflag:s19] =	ssyncset.done $0x0  }
0x2b: {  	[sflag:s19] =	ssyncadd.s32 $0xFFFFC000  }
0x2c: {  	[spmem:s3] =	stream.indirect.scatter.add.f32 [tilespmem:s17], [sflag:$0x3], $0x80, s13, s14, $0xb8;
	[tilespmem:$0x1BE00] =	vst v63  }
0x2d: {  	_ =	swait.ge [sflag:s12], $0x4000  }
0x2e: {  	s22 =	simm.s32 $0x80;
	s21 =	simm.s32 $0x40;
	[sflag:s12] =	ssyncset.done $0x0  }
.LBB2_2:
0x2f: {  	s23 =	sadd.s32 s21, s9  }
0x30: {  	[sflag:s12] =	ssyncadd.s32 $0xFFFFC000;
	s24 =	smov.u32 s22;
	s25 =	sadd.s32 $0x40, s22  }
0x31: {  	[tilespmem:s4], [sflag:$0x3] =	stream.linear.gather [hbm4b:s23+s4], $0x100, $0x38;
	[tilespmem:$0x1BE00] =	vst v63  }
0x32: {  	p0 =	sne.s32 s22, $0x1380;
	_ =	swait.ge [sflag:s12], $0x100  }
0x33: {  	[sflag:s12] =	ssyncset.done $0x0  }
0x34: {  	s22 =	sadd.s32 s21, s10;
	s21 =	smov.u32 s24;
	[sflag:s12] =	ssyncadd.s32 $0xFFFFFF00  }
0x35: {  	[tilespmem:s13], [sflag:$0x3] =	stream.linear.gather [hbm4b:s22+s4], $0x100, $0x38;
	[tilespmem:$0x1BE00] =	vst v63  }
0x36: {  	_ =	swait.ge [sflag:s12], $0x100  }
0x37: {  	[sflag:s12] =	ssyncset.done $0x0  }
0x38: {  	[sflag:s12] =	ssyncadd.s32 $0xFFFFFF00  }
0x39: {  	[tilespmem:s15], [sflag:$0x1] =	stream.indirect.gather [hbm4b:s1+s14], $0x80, s14, s14, $0xb8;
	[tilespmem:$0x1BE00] =	vst v63  }
0x3a: {  	_ = 	snop  }
0x3b: {  	[tilespmem:s17], [sflag:$0x2] =	stream.indirect.gather [hbm4b:s1+s14], $0x80, s16, s14, $0xb8;
	[tilespmem:$0x1BE00] =	vst v63  }
0x3c: {  	_ =	swait.ge [sflag:s18], $0x4000  }
0x3d: {  	[sflag:s18] =	ssyncset.done $0x0  }
0x3e: {  	[sflag:s18] =	ssyncadd.s32 $0xFFFFC000  }
0x3f: {  	[spmem:s3] =	stream.indirect.scatter.add.f32 [tilespmem:s15], [sflag:$0x3], $0x80, s4, s14, $0xb8;
	[tilespmem:$0x1BE00] =	vst v63  }
0x40: {  	_ =	swait.ge [sflag:s12], $0x4000  }
0x41: {  	[sflag:s12] =	ssyncset.done $0x0  }
0x42: {  	[sflag:s12] =	ssyncadd.s32 $0xFFFFC000  }
0x43: {  	_ =	swait.ge [sflag:s19], $0x4000  }
.Ltmp0:
0x44: {  	[sflag:s19] =	ssyncset.done $0x0;
	(pc) =	sbr.rel @p0 .LBB2_2-.Ltmp0, $4  }
0x45: {  	[sflag:s19] =	ssyncadd.s32 $0xFFFFC000  }
0x46: {  	[spmem:s3] =	stream.indirect.scatter.add.f32 [tilespmem:s17], [sflag:$0x3], $0x80, s13, s14, $0xb8;
	[tilespmem:$0x1BE00] =	vst v63  }
0x47: {  	_ =	swait.ge [sflag:s12], $0x4000  }
0x48: {  	s22 =	smov.u32 s25;
	[sflag:s12] =	ssyncset.done $0x0  }
0x49: {  	s22 =	sadd.s32 s21, s9;
	[sflag:s12] =	ssyncadd.s32 $0xFFFFC000  }
0x4a: {  	[tilespmem:s4], [sflag:$0x3] =	stream.linear.gather [hbm4b:s22+s4], $0x100, $0x38;
	[tilespmem:$0x1BE00] =	vst v63  }
0x4b: {  	_ =	swait.ge [sflag:s12], $0x100  }
0x4c: {  	[sflag:s12] =	ssyncset.done $0x0  }
0x4d: {  	s31 =	sadd.s32 s21, s10;
	[sflag:s12] =	ssyncadd.s32 $0xFFFFFF00  }
0x4e: {  	[tilespmem:s13], [sflag:$0x3] =	stream.linear.gather [hbm4b:s31+s4], $0x100, $0x38;
	[tilespmem:$0x1BE00] =	vst v63  }
0x4f: {  	_ =	swait.ge [sflag:s12], $0x100  }
0x50: {  	[sflag:s12] =	ssyncset.done $0x0  }
0x51: {  	[sflag:s12] =	ssyncadd.s32 $0xFFFFFF00  }
0x52: {  	[tilespmem:s15], [sflag:$0x1] =	stream.indirect.gather [hbm4b:s1+s14], $0x80, s14, s14, $0xb8;
	[tilespmem:$0x1BE00] =	vst v63  }
0x53: {  	_ = 	snop  }
0x54: {  	[tilespmem:s17], [sflag:$0x2] =	stream.indirect.gather [hbm4b:s1+s14], $0x80, s16, s14, $0xb8;
	[tilespmem:$0x1BE00] =	vst v63  }
0x55: {  	_ =	swait.ge [sflag:s18], $0x4000  }
0x56: {  	[sflag:s18] =	ssyncset.done $0x0  }
0x57: {  	[sflag:s18] =	ssyncadd.s32 $0xFFFFC000  }
0x58: {  	[spmem:s3] =	stream.indirect.scatter.add.f32 [tilespmem:s15], [sflag:$0x3], $0x80, s4, s14, $0xb8;
	[tilespmem:$0x1BE00] =	vst v63  }
0x59: {  	_ =	swait.ge [sflag:s12], $0x4000  }
0x5a: {  	[sflag:s12] =	ssyncset.done $0x0  }
0x5b: {  	[sflag:s12] =	ssyncadd.s32 $0xFFFFC000  }
0x5c: {  	_ =	swait.ge [sflag:s19], $0x4000  }
0x5d: {  	[sflag:s19] =	ssyncset.done $0x0  }
0x5e: {  	[sflag:s19] =	ssyncadd.s32 $0xFFFFC000  }
0x5f: {  	[spmem:s3] =	stream.indirect.scatter.add.f32 [tilespmem:s17], [sflag:$0x3], $0x80, s13, s14, $0xb8;
	[tilespmem:$0x1BE00] =	vst v63  }
0x60: {  	_ =	swait.ge [sflag:s12], $0x4000  }
0x61: {  	s20 =	sadd.s32 $0x1, s20;
	[sflag:s12] =	ssyncset.done $0x0  }
0x62: {  	p0 =	sne.s32 s20, s8;
	[sflag:s12] =	ssyncadd.s32 $0xFFFFC000  }
.Ltmp1:
0x63: {  	[bflag:$0x0] =	sbarrier.arrive $0xFFFF;
	(pc) =	sbr.rel @p0 .LBB2_1-.Ltmp1, $4  }
0x64: {  	[hbm:s7], [sflag:s6] =	dma.local [spmem:s11], $0x2780  }
0x65: {  	_ =	swait.ge [sflag:s12], $0x2780  }
0x66: {  	[sflag:s12] =	ssyncset.done $0x0  }
0x67: {  	[sflag:s12] =	ssyncadd.s32 $0xFFFFD880  }
0x68: {  	_ =	sfence.sel $0x180000  }
0x69: {  	[bflag:$0x0] =	sbarrier.arrive $0xFFFF  }
0x6a: {  	p0 =	sne.s32 s2, $0x0;
	_ =	strace $0x90000047  }
0x6b: {  	s0 =	sadd.s32 @!p0 $0x100000, s0;
	[bflag:$0x2] =	sbarrier.arrive $0xFFFF  }
0x6c: {  	[sflag:s0] =	ssyncadd.tile.s32 @!p0 $0x1;
	_ =	shalt  }
.Lfunc_end2:
_tile_overlayer_lowered:
.L_overlay_start_2:
0x6d: {  	(tag) =	ssettag $0x2  }
0x6e: {  	s0 =	rddreg [dreg:$0x0];
	s2 =	stileid.u32  }
0x6f: {  	s1 =	rddreg [dreg:$0x1];
	p0 =	sne.s32 s2, $0x0  }
0x70: {  	s3 =	rddreg [dreg:$0x2];
	[bflag:$0x3] =	sbarrier.arrive $0xFFFF;
	s2 =	simm.s32 @!p0 $0x1C03  }
0x71: {  	[timem:s3], [sflag:s2] =	dma.local @!p0 [hbm:s0], s1  }
0x72: {  	s0 =	simm.s32 @!p0 $0x3  }
0x73: {  	_ =	swait.ge @!p0 [sflag:s0], s1  }
0x74: {  	s1 =	ssub.s32 @!p0 $0x0, s1;
	[sflag:s0] =	ssyncset.done @!p0 $0x0  }
0x75: {  	[sflag:s0] =	ssyncadd.s32 @!p0 s1  }
0x76: {  	[bflag:$0x3] =	sbarrier.arrive $0xFFFF  }
0x77: {  	_ =	shalt  }

</sc_bundles>
